<compile_context>
chip_gen: v7x
topology: tpu7x:2x2x1
jax: 0.10.2.dev20260603
libtpu: 0.0.44.dev20260713+nightly
codegen_flags: <defaults>
</compile_context>

<pallas_src>
import math

import jax
import jax.numpy as jnp
import numpy as np
from jax.experimental import pallas as pl
from jax.experimental.pallas import tpu as pltpu

_LMAX = 6
_NB = 20
_RCUT = 10.0
_C = 4
_B = 16
_N = 16384
_NLM = (_LMAX + 1) ** 2
_F = _NB * _NLM
_S = _B * _C
_T = 1024
_G = _N // _T

_HIGH = jax.lax.Precision.DEFAULT


def _build_consts():
    R = np.zeros((_F, _NLM), np.float32)
    Tm = np.zeros((_F, _NB), np.float32)
    for f in range(_F):
        R[f, f // _NB] = 1.0
        Tm[f, f % _NB] = 1.0
    idx = []
    for l in range(_LMAX + 1):
        for c in range(_C):
            for n in range(_NB):
                for m in range(-l, l + 1):
                    idx.append(c * _F + (l * l + l + m) * _NB + n)
    return R, Tm, np.array(idx, np.int32)


_Rmat, _Tmat, _OUT_IDX = _build_consts()


def _sph_kernel(ct_ref, segc_ref, R_ref, Tm_ref, out_ref):
    g = pl.program_id(0)
    xyz = ct_ref[0]
    x = xyz[0:1, :]
    y = xyz[1:2, :]
    z = xyz[2:3, :]
    r = jnp.sqrt(x * x + y * y + z * z)
    inv_r = 1.0 / jnp.maximum(r, 1e-12)
    xn = x * inv_r
    yn = y * inv_r
    zn = z * inv_r
    ctheta = zn
    st = jnp.sqrt(jnp.maximum(1.0 - zn * zn, 1e-12))
    inv_rho = 1.0 / jnp.maximum(jnp.sqrt(xn * xn + yn * yn), 1e-20)
    c1 = xn * inv_rho
    s1 = yn * inv_rho
    cm = [None, c1]
    sm = [None, s1]
    for m in range(2, _LMAX + 1):
        cm.append(cm[m - 1] * c1 - sm[m - 1] * s1)
        sm.append(sm[m - 1] * c1 + cm[m - 1] * s1)
    P = {(0, 0): jnp.ones_like(z)}
    for m in range(1, _LMAX + 1):
        P[(m, m)] = (-(2 * m - 1.0)) * st * P[(m - 1, m - 1)]
    for m in range(0, _LMAX):
        P[(m + 1, m)] = (2 * m + 1.0) * ctheta * P[(m, m)]
    for m in range(0, _LMAX + 1):
        for l in range(m + 2, _LMAX + 1):
            P[(l, m)] = ((2 * l - 1.0) * ctheta * P[(l - 1, m)]
                         - (l + m - 1.0) * P[(l - 2, m)]) * (1.0 / (l - m))
    rows = []
    for l in range(_LMAX + 1):
        for m in range(-l, l + 1):
            am = abs(m)
            nlm = math.sqrt((2 * l + 1) / (4.0 * math.pi)
                            * math.factorial(l - am) / math.factorial(l + am))
            nlm *= math.sqrt(4.0 * math.pi)
            if m < 0:
                rows.append((math.sqrt(2.0) * nlm) * P[(l, am)] * sm[am])
            elif m == 0:
                rows.append(nlm * P[(l, 0)])
            else:
                rows.append((math.sqrt(2.0) * nlm) * P[(l, am)] * cm[am])
    sh_T = jnp.concatenate(rows, axis=0)
    r_c = jnp.maximum(r, 1e-6)
    n_col = (jax.lax.broadcasted_iota(jnp.int32, (_NB, 1), 0)
             .astype(jnp.float32) + 1.0)
    rad_T = (math.sqrt(2.0 / _RCUT) * jnp.sin(n_col * (math.pi / _RCUT) * r_c)
             / r_c)
    A = jax.lax.dot(R_ref[...], sh_T, precision=_HIGH,
                    preferred_element_type=jnp.float32)
    Bv = jax.lax.dot(Tm_ref[...], rad_T, precision=_HIGH,
                     preferred_element_type=jnp.float32)
    pw = A * Bv
    seg_c = segc_ref[0]
    hot = (seg_c == jax.lax.broadcasted_iota(jnp.int32, (1, _S), 1)
           ).astype(jnp.float32)
    contrib = jax.lax.dot(pw, hot, precision=_HIGH,
                          preferred_element_type=jnp.float32)

    @pl.when(g == 0)
    def _():
        out_ref[...] = contrib

    @pl.when(g > 0)
    def _():
        out_ref[...] = out_ref[...] + contrib


def _pallas_core(ct, segc, interpret=False):
    return pl.pallas_call(
        _sph_kernel,
        grid=(_G,),
        in_specs=[
            pl.BlockSpec((1, 3, _T), lambda g: (g, 0, 0)),
            pl.BlockSpec((1, _T, 1), lambda g: (g, 0, 0)),
            pl.BlockSpec((_F, _NLM), lambda g: (0, 0)),
            pl.BlockSpec((_F, _NB), lambda g: (0, 0)),
        ],
        out_specs=pl.BlockSpec((_F, _S), lambda g: (0, 0)),
        out_shape=jax.ShapeDtypeStruct((_F, _S), jnp.float32),
        compiler_params=pltpu.CompilerParams(
            dimension_semantics=("arbitrary",)),
        interpret=interpret,
    )(ct, segc, _Rmat, _Tmat)


def kernel(x_coords_B_N3, x_elements_B_N, nb_indices):
    seg = nb_indices.astype(jnp.int32) * _C + x_elements_B_N.astype(jnp.int32)
    ct = x_coords_B_N3.T.reshape(3, _G, _T).transpose(1, 0, 2)
    segc = seg.reshape(_G, _T, 1)
    out_raw = _pallas_core(ct, segc)
    per = out_raw.T.reshape(_B, _C * _F)
    return per[:, _OUT_IDX]

# --- scband reference (transcript-rebuilt; emitter-appended) ---
"""Pipeline reference for scband-spherical-fourier-encoding-670014898690 (READ-ONLY COPY).

The authoritative reference and input builder live on the scoring server;
editing this copy changes nothing except your own understanding.
"""

import jax, jax.numpy as jnp
import numpy as np
import math

LMAX = 6
NB = 20
RCUT = 10.0
C = 4  # number of element channels
B = 16  # number of neighborhoods
N = 16384  # total atoms (ragged concat)


def real_sph_harm_component(unit, lmax):
    """Real spherical harmonics up to lmax on unit vectors, e3nn 'component' normalization
    (each l-block has mean-square 1 per component, i.e. sqrt(4*pi) * orthonormal Y_lm)."""
    x, y, z = unit[:, 0], unit[:, 1], unit[:, 2]
    ct = z
    st = jnp.sqrt(jnp.clip(1.0 - z * z, 1e-12, None))
    phi = jnp.arctan2(y, x)
    P = {}
    P[(0, 0)] = jnp.ones_like(z)
    for m in range(1, lmax + 1):
        P[(m, m)] = -(2 * m - 1) * st * P[(m - 1, m - 1)]
    for m in range(0, lmax):
        P[(m + 1, m)] = (2 * m + 1) * ct * P[(m, m)]
    for m in range(0, lmax + 1):
        for l in range(m + 2, lmax + 1):
            P[(l, m)] = ((2 * l - 1) * ct * P[(l - 1, m)] - (l + m - 1) * P[(l - 2, m)]) / (l - m)
    blocks = []
    for l in range(lmax + 1):
        comps = []
        for m in range(-l, l + 1):
            am = abs(m)
            Nlm = math.sqrt((2 * l + 1) / (4.0 * math.pi) * math.factorial(l - am) / math.factorial(l + am))
            if m < 0:
                Y = math.sqrt(2.0) * Nlm * P[(l, am)] * jnp.sin(am * phi)
            elif m == 0:
                Y = Nlm * P[(l, 0)]
            else:
                Y = math.sqrt(2.0) * Nlm * P[(l, am)] * jnp.cos(am * phi)
            comps.append(Y * math.sqrt(4.0 * math.pi))
        blocks.append(jnp.stack(comps, axis=-1))
    return blocks


def radial_basis(r):
    """Bessel-style radial basis, l-independent (radius_depends_on_l=False), NB functions."""
    n = jnp.arange(1, NB + 1, dtype=jnp.float32)
    r_ = jnp.clip(r, 1e-6, None)[:, None]
    return math.sqrt(2.0 / RCUT) * jnp.sin(n[None, :] * math.pi * r_ / RCUT) / r_


def setup_inputs(seed: int = 0) -> dict:
    key = jax.random.key(seed)
    k1, k2, k3 = jax.random.split(key, 3)
    x_coords = jax.random.normal(k1, (N, 3), dtype=jnp.float32) * 3.0
    x_elements = jax.random.randint(k2, (N,), 0, C)
    nb_indices = jnp.sort(jax.random.randint(k3, (N,), 0, B))
    return {"x_coords_B_N3": x_coords, "x_elements_B_N": x_elements, "nb_indices": nb_indices}


def reference(x_coords_B_N3, x_elements_B_N, nb_indices):
    r = jnp.linalg.norm(x_coords_B_N3, axis=-1)
    unit = x_coords_B_N3 / jnp.clip(r, 1e-12, None)[:, None]
    sh = real_sph_harm_component(unit, LMAX)
    rad = radial_basis(r)  # [N, NB]
    # pointwise coeffs: for each l, each radial copy iRadial carries all 2l+1 m's
    # (matches radial_selector layout: for iRadial: for m: selector = iRadial)
    feats = []
    for l in range(LMAX + 1):
        block = rad[:, :, None] * sh[l][:, None, :]  # [N, NB, 2l+1]
        feats.append(block.reshape(block.shape[0], -1))
    pointwise = jnp.concatenate(feats, axis=-1)  # [N, F_single], F_single = NB*(LMAX+1)^2
    # per-(neighborhood, element) sum == the double loop over batch b and element e
    seg = nb_indices * C + x_elements_B_N
    per_be = jax.ops.segment_sum(pointwise, seg, num_segments=B * C)
    per_be = per_be.reshape(B, C, -1)
    # channel_combining_index_permuter: within each l-block, channels are interleaved channel-major
    out_blocks = []
    pos = 0
    for l in range(LMAX + 1):
        w = NB * (2 * l + 1)
        out_blocks.append(per_be[:, :, pos:pos + w].reshape(B, C * w))
        pos += w
    coeffs = jnp.concatenate(out_blocks, axis=-1)  # [B, C*F_single]
    return coeffs

if __name__ == "__main__":
    import jax
    _d = setup_inputs()
    print(jax.jit(kernel)(*tuple(_d.values())))

</pallas_src>

<mosaic_0001>
module attributes {stable_mosaic.version = 14 : i64} {
  func.func @_sph_kernel(%arg0: i32, %arg1: memref<1x3x1024xf32, #tpu.memory_space<vmem>>, %arg2: memref<1x1024x1xi32, #tpu.memory_space<vmem>>, %arg3: memref<980x49xf32, #tpu.memory_space<vmem>>, %arg4: memref<980x20xf32, #tpu.memory_space<vmem>>, %arg5: memref<980x64xf32, #tpu.memory_space<vmem>>) attributes {dimension_semantics = [#tpu.dimension_semantics<arbitrary>], iteration_bounds = array<i64: 16>, scalar_prefetch = 0 : i64, scratch_operands = 0 : i64, tpu.core_type = #tpu.core_type<tc>, window_params = [{transform_indices = @transform_0, window_bounds = array<i64: 1, 3, 1024>}, {transform_indices = @transform_1, window_bounds = array<i64: 1, 1024, 1>}, {pipeline_mode = #tpu.pipeline_mode<synchronous>, transform_indices = @transform_2, window_bounds = array<i64: 980, 49>}, {pipeline_mode = #tpu.pipeline_mode<synchronous>, transform_indices = @transform_3, window_bounds = array<i64: 980, 20>}, {pipeline_mode = #tpu.pipeline_mode<synchronous>, transform_indices = @transform_4, window_bounds = array<i64: 980, 64>}]} {
    %get3A = arith.constant 0 : index
    %get3A_0 = arith.constant 0 : index
    %get3A_1 = arith.constant 0 : index
    %get3A_2 = vector.load %arg1[%get3A, %get3A_0, %get3A_1] : memref<1x3x1024xf32, #tpu.memory_space<vmem>>, vector<1x3x1024xf32>
    %get3A_3 = vector.shape_cast %get3A_2 : vector<1x3x1024xf32> to vector<3x1024xf32>
    %slice3A = vector.extract_strided_slice %get3A_3 {offsets = [0, 0], sizes = [1, 1024], strides = [1, 1]} : vector<3x1024xf32> to vector<1x1024xf32>
    %slice3A_4 = vector.extract_strided_slice %get3A_3 {offsets = [1, 0], sizes = [1, 1024], strides = [1, 1]} : vector<3x1024xf32> to vector<1x1024xf32>
    %slice3A_5 = vector.extract_strided_slice %get3A_3 {offsets = [2, 0], sizes = [1, 1024], strides = [1, 1]} : vector<3x1024xf32> to vector<1x1024xf32>
    %mul3A = arith.mulf %slice3A, %slice3A : vector<1x1024xf32>
    %mul3A_6 = arith.mulf %slice3A_4, %slice3A_4 : vector<1x1024xf32>
    %add3A = arith.addf %mul3A, %mul3A_6 : vector<1x1024xf32>
    %mul3A_7 = arith.mulf %slice3A_5, %slice3A_5 : vector<1x1024xf32>
    %add3A_8 = arith.addf %add3A, %mul3A_7 : vector<1x1024xf32>
    %sqrt3A = math.sqrt %add3A_8 : vector<1x1024xf32>
    %max3A = arith.constant 9.99999996E-13 : f32
    %max3A_9 = vector.broadcast %max3A : f32 to vector<1x1024xf32>
    %max3A_10 = arith.maximumf %sqrt3A, %max3A_9 : vector<1x1024xf32>
    %div3A = arith.constant 1.000000e+00 : f32
    %div3A_11 = vector.broadcast %div3A : f32 to vector<1x1024xf32>
    %div3A_12 = arith.divf %div3A_11, %max3A_10 : vector<1x1024xf32>
    %mul3A_13 = arith.mulf %slice3A, %div3A_12 : vector<1x1024xf32>
    %mul3A_14 = arith.mulf %slice3A_4, %div3A_12 : vector<1x1024xf32>
    %mul3A_15 = arith.mulf %slice3A_5, %div3A_12 : vector<1x1024xf32>
    %mul3A_16 = arith.mulf %mul3A_15, %mul3A_15 : vector<1x1024xf32>
    %sub3A = arith.constant 1.000000e+00 : f32
    %sub3A_17 = vector.broadcast %sub3A : f32 to vector<1x1024xf32>
    %sub3A_18 = arith.subf %sub3A_17, %mul3A_16 : vector<1x1024xf32>
    %max3A_19 = arith.constant 9.99999996E-13 : f32
    %max3A_20 = vector.broadcast %max3A_19 : f32 to vector<1x1024xf32>
    %max3A_21 = arith.maximumf %sub3A_18, %max3A_20 : vector<1x1024xf32>
    %sqrt3A_22 = math.sqrt %max3A_21 : vector<1x1024xf32>
    %mul3A_23 = arith.mulf %mul3A_13, %mul3A_13 : vector<1x1024xf32>
    %mul3A_24 = arith.mulf %mul3A_14, %mul3A_14 : vector<1x1024xf32>
    %add3A_25 = arith.addf %mul3A_23, %mul3A_24 : vector<1x1024xf32>
    %sqrt3A_26 = math.sqrt %add3A_25 : vector<1x1024xf32>
    %max3A_27 = arith.constant 9.99999968E-21 : f32
    %max3A_28 = vector.broadcast %max3A_27 : f32 to vector<1x1024xf32>
    %max3A_29 = arith.maximumf %sqrt3A_26, %max3A_28 : vector<1x1024xf32>
    %div3A_30 = arith.constant 1.000000e+00 : f32
    %div3A_31 = vector.broadcast %div3A_30 : f32 to vector<1x1024xf32>
    %div3A_32 = arith.divf %div3A_31, %max3A_29 : vector<1x1024xf32>
    %mul3A_33 = arith.mulf %mul3A_13, %div3A_32 : vector<1x1024xf32>
    %mul3A_34 = arith.mulf %mul3A_14, %div3A_32 : vector<1x1024xf32>
    %mul3A_35 = arith.mulf %mul3A_33, %mul3A_33 : vector<1x1024xf32>
    %mul3A_36 = arith.mulf %mul3A_34, %mul3A_34 : vector<1x1024xf32>
    %sub3A_37 = arith.subf %mul3A_35, %mul3A_36 : vector<1x1024xf32>
    %mul3A_38 = arith.mulf %mul3A_34, %mul3A_33 : vector<1x1024xf32>
    %mul3A_39 = arith.mulf %mul3A_33, %mul3A_34 : vector<1x1024xf32>
    %add3A_40 = arith.addf %mul3A_38, %mul3A_39 : vector<1x1024xf32>
    %mul3A_41 = arith.mulf %sub3A_37, %mul3A_33 : vector<1x1024xf32>
    %mul3A_42 = arith.mulf %add3A_40, %mul3A_34 : vector<1x1024xf32>
    %sub3A_43 = arith.subf %mul3A_41, %mul3A_42 : vector<1x1024xf32>
    %mul3A_44 = arith.mulf %add3A_40, %mul3A_33 : vector<1x1024xf32>
    %mul3A_45 = arith.mulf %sub3A_37, %mul3A_34 : vector<1x1024xf32>
    %add3A_46 = arith.addf %mul3A_44, %mul3A_45 : vector<1x1024xf32>
    %mul3A_47 = arith.mulf %sub3A_43, %mul3A_33 : vector<1x1024xf32>
    %mul3A_48 = arith.mulf %add3A_46, %mul3A_34 : vector<1x1024xf32>
    %sub3A_49 = arith.subf %mul3A_47, %mul3A_48 : vector<1x1024xf32>
    %mul3A_50 = arith.mulf %add3A_46, %mul3A_33 : vector<1x1024xf32>
    %mul3A_51 = arith.mulf %sub3A_43, %mul3A_34 : vector<1x1024xf32>
    %add3A_52 = arith.addf %mul3A_50, %mul3A_51 : vector<1x1024xf32>
    %mul3A_53 = arith.mulf %sub3A_49, %mul3A_33 : vector<1x1024xf32>
    %mul3A_54 = arith.mulf %add3A_52, %mul3A_34 : vector<1x1024xf32>
    %sub3A_55 = arith.subf %mul3A_53, %mul3A_54 : vector<1x1024xf32>
    %mul3A_56 = arith.mulf %add3A_52, %mul3A_33 : vector<1x1024xf32>
    %mul3A_57 = arith.mulf %sub3A_49, %mul3A_34 : vector<1x1024xf32>
    %add3A_58 = arith.addf %mul3A_56, %mul3A_57 : vector<1x1024xf32>
    %mul3A_59 = arith.mulf %sub3A_55, %mul3A_33 : vector<1x1024xf32>
    %mul3A_60 = arith.mulf %add3A_58, %mul3A_34 : vector<1x1024xf32>
    %sub3A_61 = arith.subf %mul3A_59, %mul3A_60 : vector<1x1024xf32>
    %mul3A_62 = arith.mulf %add3A_58, %mul3A_33 : vector<1x1024xf32>
    %mul3A_63 = arith.mulf %sub3A_55, %mul3A_34 : vector<1x1024xf32>
    %add3A_64 = arith.addf %mul3A_62, %mul3A_63 : vector<1x1024xf32>
    %broadcast_in_dim3A = arith.constant 1.000000e+00 : f32
    %broadcast_in_dim3A_65 = vector.broadcast %broadcast_in_dim3A : f32 to vector<1x1024xf32>
    %mul3A_66 = arith.constant -1.000000e+00 : f32
    %mul3A_67 = vector.broadcast %mul3A_66 : f32 to vector<1x1024xf32>
    %mul3A_68 = arith.mulf %mul3A_67, %sqrt3A_22 : vector<1x1024xf32>
    %mul3A_69 = arith.mulf %mul3A_68, %broadcast_in_dim3A_65 : vector<1x1024xf32>
    %mul3A_70 = arith.constant -3.000000e+00 : f32
    %mul3A_71 = vector.broadcast %mul3A_70 : f32 to vector<1x1024xf32>
    %mul3A_72 = arith.mulf %mul3A_71, %sqrt3A_22 : vector<1x1024xf32>
    %mul3A_73 = arith.mulf %mul3A_72, %mul3A_69 : vector<1x1024xf32>
    %mul3A_74 = arith.constant -5.000000e+00 : f32
    %mul3A_75 = vector.broadcast %mul3A_74 : f32 to vector<1x1024xf32>
    %mul3A_76 = arith.mulf %mul3A_75, %sqrt3A_22 : vector<1x1024xf32>
    %mul3A_77 = arith.mulf %mul3A_76, %mul3A_73 : vector<1x1024xf32>
    %mul3A_78 = arith.constant -7.000000e+00 : f32
    %mul3A_79 = vector.broadcast %mul3A_78 : f32 to vector<1x1024xf32>
    %mul3A_80 = arith.mulf %mul3A_79, %sqrt3A_22 : vector<1x1024xf32>
    %mul3A_81 = arith.mulf %mul3A_80, %mul3A_77 : vector<1x1024xf32>
    %mul3A_82 = arith.constant -9.000000e+00 : f32
    %mul3A_83 = vector.broadcast %mul3A_82 : f32 to vector<1x1024xf32>
    %mul3A_84 = arith.mulf %mul3A_83, %sqrt3A_22 : vector<1x1024xf32>
    %mul3A_85 = arith.mulf %mul3A_84, %mul3A_81 : vector<1x1024xf32>
    %mul3A_86 = arith.constant -1.100000e+01 : f32
    %mul3A_87 = vector.broadcast %mul3A_86 : f32 to vector<1x1024xf32>
    %mul3A_88 = arith.mulf %mul3A_87, %sqrt3A_22 : vector<1x1024xf32>
    %mul3A_89 = arith.mulf %mul3A_88, %mul3A_85 : vector<1x1024xf32>
    %mul3A_90 = arith.constant 1.000000e+00 : f32
    %mul3A_91 = vector.broadcast %mul3A_90 : f32 to vector<1x1024xf32>
    %mul3A_92 = arith.mulf %mul3A_91, %mul3A_15 : vector<1x1024xf32>
    %mul3A_93 = arith.mulf %mul3A_92, %broadcast_in_dim3A_65 : vector<1x1024xf32>
    %mul3A_94 = arith.constant 3.000000e+00 : f32
    %mul3A_95 = vector.broadcast %mul3A_94 : f32 to vector<1x1024xf32>
    %mul3A_96 = arith.mulf %mul3A_95, %mul3A_15 : vector<1x1024xf32>
    %mul3A_97 = arith.mulf %mul3A_96, %mul3A_69 : vector<1x1024xf32>
    %mul3A_98 = arith.constant 5.000000e+00 : f32
    %mul3A_99 = vector.broadcast %mul3A_98 : f32 to vector<1x1024xf32>
    %mul3A_100 = arith.mulf %mul3A_99, %mul3A_15 : vector<1x1024xf32>
    %mul3A_101 = arith.mulf %mul3A_100, %mul3A_73 : vector<1x1024xf32>
    %mul3A_102 = arith.constant 7.000000e+00 : f32
    %mul3A_103 = vector.broadcast %mul3A_102 : f32 to vector<1x1024xf32>
    %mul3A_104 = arith.mulf %mul3A_103, %mul3A_15 : vector<1x1024xf32>
    %mul3A_105 = arith.mulf %mul3A_104, %mul3A_77 : vector<1x1024xf32>
    %mul3A_106 = arith.constant 9.000000e+00 : f32
    %mul3A_107 = vector.broadcast %mul3A_106 : f32 to vector<1x1024xf32>
    %mul3A_108 = arith.mulf %mul3A_107, %mul3A_15 : vector<1x1024xf32>
    %mul3A_109 = arith.mulf %mul3A_108, %mul3A_81 : vector<1x1024xf32>
    %mul3A_110 = arith.constant 1.100000e+01 : f32
    %mul3A_111 = vector.broadcast %mul3A_110 : f32 to vector<1x1024xf32>
    %mul3A_112 = arith.mulf %mul3A_111, %mul3A_15 : vector<1x1024xf32>
    %mul3A_113 = arith.mulf %mul3A_112, %mul3A_85 : vector<1x1024xf32>
    %mul3A_114 = arith.constant 3.000000e+00 : f32
    %mul3A_115 = vector.broadcast %mul3A_114 : f32 to vector<1x1024xf32>
    %mul3A_116 = arith.mulf %mul3A_115, %mul3A_15 : vector<1x1024xf32>
    %mul3A_117 = arith.mulf %mul3A_116, %mul3A_93 : vector<1x1024xf32>
    %mul3A_118 = arith.constant 1.000000e+00 : f32
    %mul3A_119 = vector.broadcast %mul3A_118 : f32 to vector<1x1024xf32>
    %mul3A_120 = arith.mulf %mul3A_119, %broadcast_in_dim3A_65 : vector<1x1024xf32>
    %sub3A_121 = arith.subf %mul3A_117, %mul3A_120 : vector<1x1024xf32>
    %mul3A_122 = arith.constant 5.000000e-01 : f32
    %mul3A_123 = vector.broadcast %mul3A_122 : f32 to vector<1x1024xf32>
    %mul3A_124 = arith.mulf %sub3A_121, %mul3A_123 : vector<1x1024xf32>
    %mul3A_125 = arith.constant 5.000000e+00 : f32
    %mul3A_126 = vector.broadcast %mul3A_125 : f32 to vector<1x1024xf32>
    %mul3A_127 = arith.mulf %mul3A_126, %mul3A_15 : vector<1x1024xf32>
    %mul3A_128 = arith.mulf %mul3A_127, %mul3A_124 : vector<1x1024xf32>
    %mul3A_129 = arith.constant 2.000000e+00 : f32
    %mul3A_130 = vector.broadcast %mul3A_129 : f32 to vector<1x1024xf32>
    %mul3A_131 = arith.mulf %mul3A_130, %mul3A_93 : vector<1x1024xf32>
    %sub3A_132 = arith.subf %mul3A_128, %mul3A_131 : vector<1x1024xf32>
    %mul3A_133 = arith.constant 0.333333343 : f32
    %mul3A_134 = vector.broadcast %mul3A_133 : f32 to vector<1x1024xf32>
    %mul3A_135 = arith.mulf %sub3A_132, %mul3A_134 : vector<1x1024xf32>
    %mul3A_136 = arith.constant 7.000000e+00 : f32
    %mul3A_137 = vector.broadcast %mul3A_136 : f32 to vector<1x1024xf32>
    %mul3A_138 = arith.mulf %mul3A_137, %mul3A_15 : vector<1x1024xf32>
    %mul3A_139 = arith.mulf %mul3A_138, %mul3A_135 : vector<1x1024xf32>
    %mul3A_140 = arith.constant 3.000000e+00 : f32
    %mul3A_141 = vector.broadcast %mul3A_140 : f32 to vector<1x1024xf32>
    %mul3A_142 = arith.mulf %mul3A_141, %mul3A_124 : vector<1x1024xf32>
    %sub3A_143 = arith.subf %mul3A_139, %mul3A_142 : vector<1x1024xf32>
    %mul3A_144 = arith.constant 2.500000e-01 : f32
    %mul3A_145 = vector.broadcast %mul3A_144 : f32 to vector<1x1024xf32>
    %mul3A_146 = arith.mulf %sub3A_143, %mul3A_145 : vector<1x1024xf32>
    %mul3A_147 = arith.constant 9.000000e+00 : f32
    %mul3A_148 = vector.broadcast %mul3A_147 : f32 to vector<1x1024xf32>
    %mul3A_149 = arith.mulf %mul3A_148, %mul3A_15 : vector<1x1024xf32>
    %mul3A_150 = arith.mulf %mul3A_149, %mul3A_146 : vector<1x1024xf32>
    %mul3A_151 = arith.constant 4.000000e+00 : f32
    %mul3A_152 = vector.broadcast %mul3A_151 : f32 to vector<1x1024xf32>
    %mul3A_153 = arith.mulf %mul3A_152, %mul3A_135 : vector<1x1024xf32>
    %sub3A_154 = arith.subf %mul3A_150, %mul3A_153 : vector<1x1024xf32>
    %mul3A_155 = arith.constant 2.000000e-01 : f32
    %mul3A_156 = vector.broadcast %mul3A_155 : f32 to vector<1x1024xf32>
    %mul3A_157 = arith.mulf %sub3A_154, %mul3A_156 : vector<1x1024xf32>
    %mul3A_158 = arith.constant 1.100000e+01 : f32
    %mul3A_159 = vector.broadcast %mul3A_158 : f32 to vector<1x1024xf32>
    %mul3A_160 = arith.mulf %mul3A_159, %mul3A_15 : vector<1x1024xf32>
    %mul3A_161 = arith.mulf %mul3A_160, %mul3A_157 : vector<1x1024xf32>
    %mul3A_162 = arith.constant 5.000000e+00 : f32
    %mul3A_163 = vector.broadcast %mul3A_162 : f32 to vector<1x1024xf32>
    %mul3A_164 = arith.mulf %mul3A_163, %mul3A_146 : vector<1x1024xf32>
    %sub3A_165 = arith.subf %mul3A_161, %mul3A_164 : vector<1x1024xf32>
    %mul3A_166 = arith.constant 0.166666672 : f32
    %mul3A_167 = vector.broadcast %mul3A_166 : f32 to vector<1x1024xf32>
    %mul3A_168 = arith.mulf %sub3A_165, %mul3A_167 : vector<1x1024xf32>
    %mul3A_169 = arith.constant 5.000000e+00 : f32
    %mul3A_170 = vector.broadcast %mul3A_169 : f32 to vector<1x1024xf32>
    %mul3A_171 = arith.mulf %mul3A_170, %mul3A_15 : vector<1x1024xf32>
    %mul3A_172 = arith.mulf %mul3A_171, %mul3A_97 : vector<1x1024xf32>
    %mul3A_173 = arith.constant 3.000000e+00 : f32
    %mul3A_174 = vector.broadcast %mul3A_173 : f32 to vector<1x1024xf32>
    %mul3A_175 = arith.mulf %mul3A_174, %mul3A_69 : vector<1x1024xf32>
    %sub3A_176 = arith.subf %mul3A_172, %mul3A_175 : vector<1x1024xf32>
    %mul3A_177 = arith.constant 5.000000e-01 : f32
    %mul3A_178 = vector.broadcast %mul3A_177 : f32 to vector<1x1024xf32>
    %mul3A_179 = arith.mulf %sub3A_176, %mul3A_178 : vector<1x1024xf32>
    %mul3A_180 = arith.constant 7.000000e+00 : f32
    %mul3A_181 = vector.broadcast %mul3A_180 : f32 to vector<1x1024xf32>
    %mul3A_182 = arith.mulf %mul3A_181, %mul3A_15 : vector<1x1024xf32>
    %mul3A_183 = arith.mulf %mul3A_182, %mul3A_179 : vector<1x1024xf32>
    %mul3A_184 = arith.constant 4.000000e+00 : f32
    %mul3A_185 = vector.broadcast %mul3A_184 : f32 to vector<1x1024xf32>
    %mul3A_186 = arith.mulf %mul3A_185, %mul3A_97 : vector<1x1024xf32>
    %sub3A_187 = arith.subf %mul3A_183, %mul3A_186 : vector<1x1024xf32>
    %mul3A_188 = arith.constant 0.333333343 : f32
    %mul3A_189 = vector.broadcast %mul3A_188 : f32 to vector<1x1024xf32>
    %mul3A_190 = arith.mulf %sub3A_187, %mul3A_189 : vector<1x1024xf32>
    %mul3A_191 = arith.constant 9.000000e+00 : f32
    %mul3A_192 = vector.broadcast %mul3A_191 : f32 to vector<1x1024xf32>
    %mul3A_193 = arith.mulf %mul3A_192, %mul3A_15 : vector<1x1024xf32>
    %mul3A_194 = arith.mulf %mul3A_193, %mul3A_190 : vector<1x1024xf32>
    %mul3A_195 = arith.constant 5.000000e+00 : f32
    %mul3A_196 = vector.broadcast %mul3A_195 : f32 to vector<1x1024xf32>
    %mul3A_197 = arith.mulf %mul3A_196, %mul3A_179 : vector<1x1024xf32>
    %sub3A_198 = arith.subf %mul3A_194, %mul3A_197 : vector<1x1024xf32>
    %mul3A_199 = arith.constant 2.500000e-01 : f32
    %mul3A_200 = vector.broadcast %mul3A_199 : f32 to vector<1x1024xf32>
    %mul3A_201 = arith.mulf %sub3A_198, %mul3A_200 : vector<1x1024xf32>
    %mul3A_202 = arith.constant 1.100000e+01 : f32
    %mul3A_203 = vector.broadcast %mul3A_202 : f32 to vector<1x1024xf32>
    %mul3A_204 = arith.mulf %mul3A_203, %mul3A_15 : vector<1x1024xf32>
    %mul3A_205 = arith.mulf %mul3A_204, %mul3A_201 : vector<1x1024xf32>
    %mul3A_206 = arith.constant 6.000000e+00 : f32
    %mul3A_207 = vector.broadcast %mul3A_206 : f32 to vector<1x1024xf32>
    %mul3A_208 = arith.mulf %mul3A_207, %mul3A_190 : vector<1x1024xf32>
    %sub3A_209 = arith.subf %mul3A_205, %mul3A_208 : vector<1x1024xf32>
    %mul3A_210 = arith.constant 2.000000e-01 : f32
    %mul3A_211 = vector.broadcast %mul3A_210 : f32 to vector<1x1024xf32>
    %mul3A_212 = arith.mulf %sub3A_209, %mul3A_211 : vector<1x1024xf32>
    %mul3A_213 = arith.constant 7.000000e+00 : f32
    %mul3A_214 = vector.broadcast %mul3A_213 : f32 to vector<1x1024xf32>
    %mul3A_215 = arith.mulf %mul3A_214, %mul3A_15 : vector<1x1024xf32>
    %mul3A_216 = arith.mulf %mul3A_215, %mul3A_101 : vector<1x1024xf32>
    %mul3A_217 = arith.constant 5.000000e+00 : f32
    %mul3A_218 = vector.broadcast %mul3A_217 : f32 to vector<1x1024xf32>
    %mul3A_219 = arith.mulf %mul3A_218, %mul3A_73 : vector<1x1024xf32>
    %sub3A_220 = arith.subf %mul3A_216, %mul3A_219 : vector<1x1024xf32>
    %mul3A_221 = arith.constant 5.000000e-01 : f32
    %mul3A_222 = vector.broadcast %mul3A_221 : f32 to vector<1x1024xf32>
    %mul3A_223 = arith.mulf %sub3A_220, %mul3A_222 : vector<1x1024xf32>
    %mul3A_224 = arith.constant 9.000000e+00 : f32
    %mul3A_225 = vector.broadcast %mul3A_224 : f32 to vector<1x1024xf32>
    %mul3A_226 = arith.mulf %mul3A_225, %mul3A_15 : vector<1x1024xf32>
    %mul3A_227 = arith.mulf %mul3A_226, %mul3A_223 : vector<1x1024xf32>
    %mul3A_228 = arith.constant 6.000000e+00 : f32
    %mul3A_229 = vector.broadcast %mul3A_228 : f32 to vector<1x1024xf32>
    %mul3A_230 = arith.mulf %mul3A_229, %mul3A_101 : vector<1x1024xf32>
    %sub3A_231 = arith.subf %mul3A_227, %mul3A_230 : vector<1x1024xf32>
    %mul3A_232 = arith.constant 0.333333343 : f32
    %mul3A_233 = vector.broadcast %mul3A_232 : f32 to vector<1x1024xf32>
    %mul3A_234 = arith.mulf %sub3A_231, %mul3A_233 : vector<1x1024xf32>
    %mul3A_235 = arith.constant 1.100000e+01 : f32
    %mul3A_236 = vector.broadcast %mul3A_235 : f32 to vector<1x1024xf32>
    %mul3A_237 = arith.mulf %mul3A_236, %mul3A_15 : vector<1x1024xf32>
    %mul3A_238 = arith.mulf %mul3A_237, %mul3A_234 : vector<1x1024xf32>
    %mul3A_239 = arith.constant 7.000000e+00 : f32
    %mul3A_240 = vector.broadcast %mul3A_239 : f32 to vector<1x1024xf32>
    %mul3A_241 = arith.mulf %mul3A_240, %mul3A_223 : vector<1x1024xf32>
    %sub3A_242 = arith.subf %mul3A_238, %mul3A_241 : vector<1x1024xf32>
    %mul3A_243 = arith.constant 2.500000e-01 : f32
    %mul3A_244 = vector.broadcast %mul3A_243 : f32 to vector<1x1024xf32>
    %mul3A_245 = arith.mulf %sub3A_242, %mul3A_244 : vector<1x1024xf32>
    %mul3A_246 = arith.constant 9.000000e+00 : f32
    %mul3A_247 = vector.broadcast %mul3A_246 : f32 to vector<1x1024xf32>
    %mul3A_248 = arith.mulf %mul3A_247, %mul3A_15 : vector<1x1024xf32>
    %mul3A_249 = arith.mulf %mul3A_248, %mul3A_105 : vector<1x1024xf32>
    %mul3A_250 = arith.constant 7.000000e+00 : f32
    %mul3A_251 = vector.broadcast %mul3A_250 : f32 to vector<1x1024xf32>
    %mul3A_252 = arith.mulf %mul3A_251, %mul3A_77 : vector<1x1024xf32>
    %sub3A_253 = arith.subf %mul3A_249, %mul3A_252 : vector<1x1024xf32>
    %mul3A_254 = arith.constant 5.000000e-01 : f32
    %mul3A_255 = vector.broadcast %mul3A_254 : f32 to vector<1x1024xf32>
    %mul3A_256 = arith.mulf %sub3A_253, %mul3A_255 : vector<1x1024xf32>
    %mul3A_257 = arith.constant 1.100000e+01 : f32
    %mul3A_258 = vector.broadcast %mul3A_257 : f32 to vector<1x1024xf32>
    %mul3A_259 = arith.mulf %mul3A_258, %mul3A_15 : vector<1x1024xf32>
    %mul3A_260 = arith.mulf %mul3A_259, %mul3A_256 : vector<1x1024xf32>
    %mul3A_261 = arith.constant 8.000000e+00 : f32
    %mul3A_262 = vector.broadcast %mul3A_261 : f32 to vector<1x1024xf32>
    %mul3A_263 = arith.mulf %mul3A_262, %mul3A_105 : vector<1x1024xf32>
    %sub3A_264 = arith.subf %mul3A_260, %mul3A_263 : vector<1x1024xf32>
    %mul3A_265 = arith.constant 0.333333343 : f32
    %mul3A_266 = vector.broadcast %mul3A_265 : f32 to vector<1x1024xf32>
    %mul3A_267 = arith.mulf %sub3A_264, %mul3A_266 : vector<1x1024xf32>
    %mul3A_268 = arith.constant 1.100000e+01 : f32
    %mul3A_269 = vector.broadcast %mul3A_268 : f32 to vector<1x1024xf32>
    %mul3A_270 = arith.mulf %mul3A_269, %mul3A_15 : vector<1x1024xf32>
    %mul3A_271 = arith.mulf %mul3A_270, %mul3A_109 : vector<1x1024xf32>
    %mul3A_272 = arith.constant 9.000000e+00 : f32
    %mul3A_273 = vector.broadcast %mul3A_272 : f32 to vector<1x1024xf32>
    %mul3A_274 = arith.mulf %mul3A_273, %mul3A_81 : vector<1x1024xf32>
    %sub3A_275 = arith.subf %mul3A_271, %mul3A_274 : vector<1x1024xf32>
    %mul3A_276 = arith.constant 5.000000e-01 : f32
    %mul3A_277 = vector.broadcast %mul3A_276 : f32 to vector<1x1024xf32>
    %mul3A_278 = arith.mulf %sub3A_275, %mul3A_277 : vector<1x1024xf32>
    %mul3A_279 = arith.constant 1.000000e+00 : f32
    %mul3A_280 = vector.broadcast %mul3A_279 : f32 to vector<1x1024xf32>
    %mul3A_281 = arith.mulf %mul3A_280, %broadcast_in_dim3A_65 : vector<1x1024xf32>
    %mul3A_282 = arith.constant 1.73205078 : f32
    %mul3A_283 = vector.broadcast %mul3A_282 : f32 to vector<1x1024xf32>
    %mul3A_284 = arith.mulf %mul3A_283, %mul3A_69 : vector<1x1024xf32>
    %mul3A_285 = arith.mulf %mul3A_284, %mul3A_34 : vector<1x1024xf32>
    %mul3A_286 = arith.constant 1.73205078 : f32
    %mul3A_287 = vector.broadcast %mul3A_286 : f32 to vector<1x1024xf32>
    %mul3A_288 = arith.mulf %mul3A_287, %mul3A_93 : vector<1x1024xf32>
    %mul3A_289 = arith.constant 1.73205078 : f32
    %mul3A_290 = vector.broadcast %mul3A_289 : f32 to vector<1x1024xf32>
    %mul3A_291 = arith.mulf %mul3A_290, %mul3A_69 : vector<1x1024xf32>
    %mul3A_292 = arith.mulf %mul3A_291, %mul3A_33 : vector<1x1024xf32>
    %mul3A_293 = arith.constant 0.645497203 : f32
    %mul3A_294 = vector.broadcast %mul3A_293 : f32 to vector<1x1024xf32>
    %mul3A_295 = arith.mulf %mul3A_294, %mul3A_73 : vector<1x1024xf32>
    %mul3A_296 = arith.mulf %mul3A_295, %add3A_40 : vector<1x1024xf32>
    %mul3A_297 = arith.constant 1.29099441 : f32
    %mul3A_298 = vector.broadcast %mul3A_297 : f32 to vector<1x1024xf32>
    %mul3A_299 = arith.mulf %mul3A_298, %mul3A_97 : vector<1x1024xf32>
    %mul3A_300 = arith.mulf %mul3A_299, %mul3A_34 : vector<1x1024xf32>
    %mul3A_301 = arith.constant 2.23606801 : f32
    %mul3A_302 = vector.broadcast %mul3A_301 : f32 to vector<1x1024xf32>
    %mul3A_303 = arith.mulf %mul3A_302, %mul3A_124 : vector<1x1024xf32>
    %mul3A_304 = arith.constant 1.29099441 : f32
    %mul3A_305 = vector.broadcast %mul3A_304 : f32 to vector<1x1024xf32>
    %mul3A_306 = arith.mulf %mul3A_305, %mul3A_97 : vector<1x1024xf32>
    %mul3A_307 = arith.mulf %mul3A_306, %mul3A_33 : vector<1x1024xf32>
    %mul3A_308 = arith.constant 0.645497203 : f32
    %mul3A_309 = vector.broadcast %mul3A_308 : f32 to vector<1x1024xf32>
    %mul3A_310 = arith.mulf %mul3A_309, %mul3A_73 : vector<1x1024xf32>
    %mul3A_311 = arith.mulf %mul3A_310, %sub3A_37 : vector<1x1024xf32>
    %mul3A_312 = arith.constant 0.139443338 : f32
    %mul3A_313 = vector.broadcast %mul3A_312 : f32 to vector<1x1024xf32>
    %mul3A_314 = arith.mulf %mul3A_313, %mul3A_77 : vector<1x1024xf32>
    %mul3A_315 = arith.mulf %mul3A_314, %add3A_46 : vector<1x1024xf32>
    %mul3A_316 = arith.constant 3.415650e-01 : f32
    %mul3A_317 = vector.broadcast %mul3A_316 : f32 to vector<1x1024xf32>
    %mul3A_318 = arith.mulf %mul3A_317, %mul3A_101 : vector<1x1024xf32>
    %mul3A_319 = arith.mulf %mul3A_318, %add3A_40 : vector<1x1024xf32>
    %mul3A_320 = arith.constant 1.08012342 : f32
    %mul3A_321 = vector.broadcast %mul3A_320 : f32 to vector<1x1024xf32>
    %mul3A_322 = arith.mulf %mul3A_321, %mul3A_179 : vector<1x1024xf32>
    %mul3A_323 = arith.mulf %mul3A_322, %mul3A_34 : vector<1x1024xf32>
    %mul3A_324 = arith.constant 2.64575124 : f32
    %mul3A_325 = vector.broadcast %mul3A_324 : f32 to vector<1x1024xf32>
    %mul3A_326 = arith.mulf %mul3A_325, %mul3A_135 : vector<1x1024xf32>
    %mul3A_327 = arith.constant 1.08012342 : f32
    %mul3A_328 = vector.broadcast %mul3A_327 : f32 to vector<1x1024xf32>
    %mul3A_329 = arith.mulf %mul3A_328, %mul3A_179 : vector<1x1024xf32>
    %mul3A_330 = arith.mulf %mul3A_329, %mul3A_33 : vector<1x1024xf32>
    %mul3A_331 = arith.constant 3.415650e-01 : f32
    %mul3A_332 = vector.broadcast %mul3A_331 : f32 to vector<1x1024xf32>
    %mul3A_333 = arith.mulf %mul3A_332, %mul3A_101 : vector<1x1024xf32>
    %mul3A_334 = arith.mulf %mul3A_333, %sub3A_37 : vector<1x1024xf32>
    %mul3A_335 = arith.constant 0.139443338 : f32
    %mul3A_336 = vector.broadcast %mul3A_335 : f32 to vector<1x1024xf32>
    %mul3A_337 = arith.mulf %mul3A_336, %mul3A_77 : vector<1x1024xf32>
    %mul3A_338 = arith.mulf %mul3A_337, %sub3A_43 : vector<1x1024xf32>
    %mul3A_339 = arith.constant 0.0211288556 : f32
    %mul3A_340 = vector.broadcast %mul3A_339 : f32 to vector<1x1024xf32>
    %mul3A_341 = arith.mulf %mul3A_340, %mul3A_81 : vector<1x1024xf32>
    %mul3A_342 = arith.mulf %mul3A_341, %add3A_52 : vector<1x1024xf32>
    %mul3A_343 = arith.constant 0.0597614311 : f32
    %mul3A_344 = vector.broadcast %mul3A_343 : f32 to vector<1x1024xf32>
    %mul3A_345 = arith.mulf %mul3A_344, %mul3A_105 : vector<1x1024xf32>
    %mul3A_346 = arith.mulf %mul3A_345, %add3A_46 : vector<1x1024xf32>
    %mul3A_347 = arith.constant 0.223606795 : f32
    %mul3A_348 = vector.broadcast %mul3A_347 : f32 to vector<1x1024xf32>
    %mul3A_349 = arith.mulf %mul3A_348, %mul3A_223 : vector<1x1024xf32>
    %mul3A_350 = arith.mulf %mul3A_349, %add3A_40 : vector<1x1024xf32>
    %mul3A_351 = arith.constant 0.948683321 : f32
    %mul3A_352 = vector.broadcast %mul3A_351 : f32 to vector<1x1024xf32>
    %mul3A_353 = arith.mulf %mul3A_352, %mul3A_190 : vector<1x1024xf32>
    %mul3A_354 = arith.mulf %mul3A_353, %mul3A_34 : vector<1x1024xf32>
    %mul3A_355 = arith.constant 3.000000e+00 : f32
    %mul3A_356 = vector.broadcast %mul3A_355 : f32 to vector<1x1024xf32>
    %mul3A_357 = arith.mulf %mul3A_356, %mul3A_146 : vector<1x1024xf32>
    %mul3A_358 = arith.constant 0.948683321 : f32
    %mul3A_359 = vector.broadcast %mul3A_358 : f32 to vector<1x1024xf32>
    %mul3A_360 = arith.mulf %mul3A_359, %mul3A_190 : vector<1x1024xf32>
    %mul3A_361 = arith.mulf %mul3A_360, %mul3A_33 : vector<1x1024xf32>
    %mul3A_362 = arith.constant 0.223606795 : f32
    %mul3A_363 = vector.broadcast %mul3A_362 : f32 to vector<1x1024xf32>
    %mul3A_364 = arith.mulf %mul3A_363, %mul3A_223 : vector<1x1024xf32>
    %mul3A_365 = arith.mulf %mul3A_364, %sub3A_37 : vector<1x1024xf32>
    %mul3A_366 = arith.constant 0.0597614311 : f32
    %mul3A_367 = vector.broadcast %mul3A_366 : f32 to vector<1x1024xf32>
    %mul3A_368 = arith.mulf %mul3A_367, %mul3A_105 : vector<1x1024xf32>
    %mul3A_369 = arith.mulf %mul3A_368, %sub3A_43 : vector<1x1024xf32>
    %mul3A_370 = arith.constant 0.0211288556 : f32
    %mul3A_371 = vector.broadcast %mul3A_370 : f32 to vector<1x1024xf32>
    %mul3A_372 = arith.mulf %mul3A_371, %mul3A_81 : vector<1x1024xf32>
    %mul3A_373 = arith.mulf %mul3A_372, %sub3A_49 : vector<1x1024xf32>
    %mul3A_374 = arith.constant 0.00246223691 : f32
    %mul3A_375 = vector.broadcast %mul3A_374 : f32 to vector<1x1024xf32>
    %mul3A_376 = arith.mulf %mul3A_375, %mul3A_85 : vector<1x1024xf32>
    %mul3A_377 = arith.mulf %mul3A_376, %add3A_58 : vector<1x1024xf32>
    %mul3A_378 = arith.constant 0.00778627675 : f32
    %mul3A_379 = vector.broadcast %mul3A_378 : f32 to vector<1x1024xf32>
    %mul3A_380 = arith.mulf %mul3A_379, %mul3A_109 : vector<1x1024xf32>
    %mul3A_381 = arith.mulf %mul3A_380, %add3A_52 : vector<1x1024xf32>
    %mul3A_382 = arith.constant 0.0330343731 : f32
    %mul3A_383 = vector.broadcast %mul3A_382 : f32 to vector<1x1024xf32>
    %mul3A_384 = arith.mulf %mul3A_383, %mul3A_256 : vector<1x1024xf32>
    %mul3A_385 = arith.mulf %mul3A_384, %add3A_46 : vector<1x1024xf32>
    %mul3A_386 = arith.constant 0.161834717 : f32
    %mul3A_387 = vector.broadcast %mul3A_386 : f32 to vector<1x1024xf32>
    %mul3A_388 = arith.mulf %mul3A_387, %mul3A_234 : vector<1x1024xf32>
    %mul3A_389 = arith.mulf %mul3A_388, %add3A_40 : vector<1x1024xf32>
    %mul3A_390 = arith.constant 0.856348812 : f32
    %mul3A_391 = vector.broadcast %mul3A_390 : f32 to vector<1x1024xf32>
    %mul3A_392 = arith.mulf %mul3A_391, %mul3A_201 : vector<1x1024xf32>
    %mul3A_393 = arith.mulf %mul3A_392, %mul3A_34 : vector<1x1024xf32>
    %mul3A_394 = arith.constant 3.31662488 : f32
    %mul3A_395 = vector.broadcast %mul3A_394 : f32 to vector<1x1024xf32>
    %mul3A_396 = arith.mulf %mul3A_395, %mul3A_157 : vector<1x1024xf32>
    %mul3A_397 = arith.constant 0.856348812 : f32
    %mul3A_398 = vector.broadcast %mul3A_397 : f32 to vector<1x1024xf32>
    %mul3A_399 = arith.mulf %mul3A_398, %mul3A_201 : vector<1x1024xf32>
    %mul3A_400 = arith.mulf %mul3A_399, %mul3A_33 : vector<1x1024xf32>
    %mul3A_401 = arith.constant 0.161834717 : f32
    %mul3A_402 = vector.broadcast %mul3A_401 : f32 to vector<1x1024xf32>
    %mul3A_403 = arith.mulf %mul3A_402, %mul3A_234 : vector<1x1024xf32>
    %mul3A_404 = arith.mulf %mul3A_403, %sub3A_37 : vector<1x1024xf32>
    %mul3A_405 = arith.constant 0.0330343731 : f32
    %mul3A_406 = vector.broadcast %mul3A_405 : f32 to vector<1x1024xf32>
    %mul3A_407 = arith.mulf %mul3A_406, %mul3A_256 : vector<1x1024xf32>
    %mul3A_408 = arith.mulf %mul3A_407, %sub3A_43 : vector<1x1024xf32>
    %mul3A_409 = arith.constant 0.00778627675 : f32
    %mul3A_410 = vector.broadcast %mul3A_409 : f32 to vector<1x1024xf32>
    %mul3A_411 = arith.mulf %mul3A_410, %mul3A_109 : vector<1x1024xf32>
    %mul3A_412 = arith.mulf %mul3A_411, %sub3A_49 : vector<1x1024xf32>
    %mul3A_413 = arith.constant 0.00246223691 : f32
    %mul3A_414 = vector.broadcast %mul3A_413 : f32 to vector<1x1024xf32>
    %mul3A_415 = arith.mulf %mul3A_414, %mul3A_85 : vector<1x1024xf32>
    %mul3A_416 = arith.mulf %mul3A_415, %sub3A_55 : vector<1x1024xf32>
    %mul3A_417 = arith.constant 2.32979757E-4 : f32
    %mul3A_418 = vector.broadcast %mul3A_417 : f32 to vector<1x1024xf32>
    %mul3A_419 = arith.mulf %mul3A_418, %mul3A_89 : vector<1x1024xf32>
    %mul3A_420 = arith.mulf %mul3A_419, %add3A_64 : vector<1x1024xf32>
    %mul3A_421 = arith.constant 8.07065575E-4 : f32
    %mul3A_422 = vector.broadcast %mul3A_421 : f32 to vector<1x1024xf32>
    %mul3A_423 = arith.mulf %mul3A_422, %mul3A_113 : vector<1x1024xf32>
    %mul3A_424 = arith.mulf %mul3A_423, %add3A_58 : vector<1x1024xf32>
    %mul3A_425 = arith.constant 0.00378547306 : f32
    %mul3A_426 = vector.broadcast %mul3A_425 : f32 to vector<1x1024xf32>
    %mul3A_427 = arith.mulf %mul3A_426, %mul3A_278 : vector<1x1024xf32>
    %mul3A_428 = arith.mulf %mul3A_427, %add3A_52 : vector<1x1024xf32>
    %mul3A_429 = arith.constant 0.0207338892 : f32
    %mul3A_430 = vector.broadcast %mul3A_429 : f32 to vector<1x1024xf32>
    %mul3A_431 = arith.mulf %mul3A_430, %mul3A_267 : vector<1x1024xf32>
    %mul3A_432 = arith.mulf %mul3A_431, %add3A_46 : vector<1x1024xf32>
    %mul3A_433 = arith.constant 0.124403335 : f32
    %mul3A_434 = vector.broadcast %mul3A_433 : f32 to vector<1x1024xf32>
    %mul3A_435 = arith.mulf %mul3A_434, %mul3A_245 : vector<1x1024xf32>
    %mul3A_436 = arith.mulf %mul3A_435, %add3A_40 : vector<1x1024xf32>
    %mul3A_437 = arith.constant 0.786795794 : f32
    %mul3A_438 = vector.broadcast %mul3A_437 : f32 to vector<1x1024xf32>
    %mul3A_439 = arith.mulf %mul3A_438, %mul3A_212 : vector<1x1024xf32>
    %mul3A_440 = arith.mulf %mul3A_439, %mul3A_34 : vector<1x1024xf32>
    %mul3A_441 = arith.constant 3.60555124 : f32
    %mul3A_442 = vector.broadcast %mul3A_441 : f32 to vector<1x1024xf32>
    %mul3A_443 = arith.mulf %mul3A_442, %mul3A_168 : vector<1x1024xf32>
    %mul3A_444 = arith.constant 0.786795794 : f32
    %mul3A_445 = vector.broadcast %mul3A_444 : f32 to vector<1x1024xf32>
    %mul3A_446 = arith.mulf %mul3A_445, %mul3A_212 : vector<1x1024xf32>
    %mul3A_447 = arith.mulf %mul3A_446, %mul3A_33 : vector<1x1024xf32>
    %mul3A_448 = arith.constant 0.124403335 : f32
    %mul3A_449 = vector.broadcast %mul3A_448 : f32 to vector<1x1024xf32>
    %mul3A_450 = arith.mulf %mul3A_449, %mul3A_245 : vector<1x1024xf32>
    %mul3A_451 = arith.mulf %mul3A_450, %sub3A_37 : vector<1x1024xf32>
    %mul3A_452 = arith.constant 0.0207338892 : f32
    %mul3A_453 = vector.broadcast %mul3A_452 : f32 to vector<1x1024xf32>
    %mul3A_454 = arith.mulf %mul3A_453, %mul3A_267 : vector<1x1024xf32>
    %mul3A_455 = arith.mulf %mul3A_454, %sub3A_43 : vector<1x1024xf32>
    %mul3A_456 = arith.constant 0.00378547306 : f32
    %mul3A_457 = vector.broadcast %mul3A_456 : f32 to vector<1x1024xf32>
    %mul3A_458 = arith.mulf %mul3A_457, %mul3A_278 : vector<1x1024xf32>
    %mul3A_459 = arith.mulf %mul3A_458, %sub3A_49 : vector<1x1024xf32>
    %mul3A_460 = arith.constant 8.07065575E-4 : f32
    %mul3A_461 = vector.broadcast %mul3A_460 : f32 to vector<1x1024xf32>
    %mul3A_462 = arith.mulf %mul3A_461, %mul3A_113 : vector<1x1024xf32>
    %mul3A_463 = arith.mulf %mul3A_462, %sub3A_55 : vector<1x1024xf32>
    %mul3A_464 = arith.constant 2.32979757E-4 : f32
    %mul3A_465 = vector.broadcast %mul3A_464 : f32 to vector<1x1024xf32>
    %mul3A_466 = arith.mulf %mul3A_465, %mul3A_89 : vector<1x1024xf32>
    %mul3A_467 = arith.mulf %mul3A_466, %sub3A_61 : vector<1x1024xf32>
    %concatenate3A = tpu.concatenate %mul3A_281, %mul3A_285, %mul3A_288, %mul3A_292, %mul3A_296, %mul3A_300, %mul3A_303, %mul3A_307, %mul3A_311, %mul3A_315, %mul3A_319, %mul3A_323, %mul3A_326, %mul3A_330, %mul3A_334, %mul3A_338, %mul3A_342, %mul3A_346, %mul3A_350, %mul3A_354, %mul3A_357, %mul3A_361, %mul3A_365, %mul3A_369, %mul3A_373, %mul3A_377, %mul3A_381, %mul3A_385, %mul3A_389, %mul3A_393, %mul3A_396, %mul3A_400, %mul3A_404, %mul3A_408, %mul3A_412, %mul3A_416, %mul3A_420, %mul3A_424, %mul3A_428, %mul3A_432, %mul3A_436, %mul3A_440, %mul3A_443, %mul3A_447, %mul3A_451, %mul3A_455, %mul3A_459, %mul3A_463, %mul3A_467 in 0 : vector<1x1024xf32>, vector<1x1024xf32>, vector<1x1024xf32>, vector<1x1024xf32>, vector<1x1024xf32>, vector<1x1024xf32>, vector<1x1024xf32>, vector<1x1024xf32>, vector<1x1024xf32>, vector<1x1024xf32>, vector<1x1024xf32>, vector<1x1024xf32>, vector<1x1024xf32>, vector<1x1024xf32>, vector<1x1024xf32>, vector<1x1024xf32>, vector<1x1024xf32>, vector<1x1024xf32>, vector<1x1024xf32>, vector<1x1024xf32>, vector<1x1024xf32>, vector<1x1024xf32>, vector<1x1024xf32>, vector<1x1024xf32>, vector<1x1024xf32>, vector<1x1024xf32>, vector<1x1024xf32>, vector<1x1024xf32>, vector<1x1024xf32>, vector<1x1024xf32>, vector<1x1024xf32>, vector<1x1024xf32>, vector<1x1024xf32>, vector<1x1024xf32>, vector<1x1024xf32>, vector<1x1024xf32>, vector<1x1024xf32>, vector<1x1024xf32>, vector<1x1024xf32>, vector<1x1024xf32>, vector<1x1024xf32>, vector<1x1024xf32>, vector<1x1024xf32>, vector<1x1024xf32>, vector<1x1024xf32>, vector<1x1024xf32>, vector<1x1024xf32>, vector<1x1024xf32>, vector<1x1024xf32> -> vector<49x1024xf32>
    %max3A_468 = arith.constant 9.99999997E-7 : f32
    %max3A_469 = vector.broadcast %max3A_468 : f32 to vector<1x1024xf32>
    %max3A_470 = arith.maximumf %sqrt3A, %max3A_469 : vector<1x1024xf32>
    %iota3A = tpu.iota {dimensions = array<i32: 0>} : vector<20x1xi32>
    %convert_element_type3A = arith.sitofp %iota3A : vector<20x1xi32> to vector<20x1xf32>
    %add3A_471 = arith.constant 1.000000e+00 : f32
    %add3A_472 = vector.broadcast %add3A_471 : f32 to vector<20x1xf32>
    %add3A_473 = arith.addf %convert_element_type3A, %add3A_472 : vector<20x1xf32>
    %mul3A_474 = arith.constant 0.314159274 : f32
    %mul3A_475 = vector.broadcast %mul3A_474 : f32 to vector<20x1xf32>
    %mul3A_476 = arith.mulf %add3A_473, %mul3A_475 : vector<20x1xf32>
    %mul3A_477 = vector.broadcast %mul3A_476 : vector<20x1xf32> to vector<20x1024xf32>
    %mul3A_478 = vector.broadcast %max3A_470 : vector<1x1024xf32> to vector<20x1024xf32>
    %mul3A_479 = arith.mulf %mul3A_477, %mul3A_478 : vector<20x1024xf32>
    %sin3A = math.sin %mul3A_479 : vector<20x1024xf32>
    %mul3A_480 = arith.constant 0.44721359 : f32
    %mul3A_481 = vector.broadcast %mul3A_480 : f32 to vector<20x1024xf32>
    %mul3A_482 = arith.mulf %mul3A_481, %sin3A : vector<20x1024xf32>
    %div3A_483 = vector.broadcast %max3A_470 : vector<1x1024xf32> to vector<20x1024xf32>
    %div3A_484 = arith.divf %mul3A_482, %div3A_483 : vector<20x1024xf32>
    %get3A_485 = arith.constant 0 : index
    %get3A_486 = arith.constant 0 : index
    %get3A_487 = vector.load %arg3[%get3A_485, %get3A_486] : memref<980x49xf32, #tpu.memory_space<vmem>>, vector<980x49xf32>
    %dot_general3A = arith.constant dense<0.000000e+00> : vector<980x1024xf32>
    %dot_general3A_488 = tpu.matmul %get3A_487, %concatenate3A, %dot_general3A {dimension_numbers = #tpu.dot_dimension_numbers<[1], [0], [0], [1], [0, 0, 1, 1], [], []>, transpose_lhs_hint = false} : vector<980x49xf32>, vector<49x1024xf32>, vector<980x1024xf32> -> vector<980x1024xf32>
    %get3A_489 = arith.constant 0 : index
    %get3A_490 = arith.constant 0 : index
    %get3A_491 = vector.load %arg4[%get3A_489, %get3A_490] : memref<980x20xf32, #tpu.memory_space<vmem>>, vector<980x20xf32>
    %dot_general3A_492 = arith.constant dense<0.000000e+00> : vector<980x1024xf32>
    %dot_general3A_493 = tpu.matmul %get3A_491, %div3A_484, %dot_general3A_492 {dimension_numbers = #tpu.dot_dimension_numbers<[1], [0], [0], [1], [0, 0, 1, 1], [], []>, transpose_lhs_hint = false} : vector<980x20xf32>, vector<20x1024xf32>, vector<980x1024xf32> -> vector<980x1024xf32>
    %mul3A_494 = arith.mulf %dot_general3A_488, %dot_general3A_493 : vector<980x1024xf32>
    %get3A_495 = arith.constant 0 : index
    %get3A_496 = arith.constant 0 : index
    %get3A_497 = arith.constant 0 : index
    %get3A_498 = vector.load %arg2[%get3A_495, %get3A_496, %get3A_497] : memref<1x1024x1xi32, #tpu.memory_space<vmem>>, vector<1x1024x1xi32>
    %get3A_499 = vector.shape_cast %get3A_498 : vector<1x1024x1xi32> to vector<1024x1xi32>
    %iota3A_500 = tpu.iota {dimensions = array<i32: 1>} : vector<1x64xi32>
    %eq3A = vector.broadcast %get3A_499 : vector<1024x1xi32> to vector<1024x64xi32>
    %eq3A_501 = vector.broadcast %iota3A_500 : vector<1x64xi32> to vector<1024x64xi32>
    %eq3A_502 = arith.cmpi eq, %eq3A, %eq3A_501 : vector<1024x64xi32>
    %convert_element_type3A_503 = arith.extui %eq3A_502 : vector<1024x64xi1> to vector<1024x64xi32>
    %convert_element_type3A_504 = arith.sitofp %convert_element_type3A_503 : vector<1024x64xi32> to vector<1024x64xf32>
    %dot_general3A_505 = arith.constant dense<0.000000e+00> : vector<980x64xf32>
    %dot_general3A_506 = tpu.matmul %mul3A_494, %convert_element_type3A_504, %dot_general3A_505 {dimension_numbers = #tpu.dot_dimension_numbers<[1], [0], [0], [1], [0, 0, 1, 1], [], []>, transpose_lhs_hint = false} : vector<980x1024xf32>, vector<1024x64xf32>, vector<980x64xf32> -> vector<980x64xf32>
    %eq3A_507 = arith.constant 0 : i32
    %eq3A_508 = arith.cmpi eq, %arg0, %eq3A_507 : i32
    %convert_element_type3A_509 = arith.extui %eq3A_508 : i1 to i32
    %cond3A = arith.constant 0 : i32
    %cond3A_510 = arith.cmpi ne, %convert_element_type3A_509, %cond3A : i32
    scf.if %cond3A_510 {
      %swap3A = arith.constant 0 : index
      %swap3A_515 = arith.constant 0 : index
      %swap3A_516 = vector.load %arg5[%swap3A, %swap3A_515] : memref<980x64xf32, #tpu.memory_space<vmem>>, vector<980x64xf32>
      tpu.vector_store %arg5[%swap3A, %swap3A_515], %dot_general3A_506 {strides = array<i32>} : memref<980x64xf32, #tpu.memory_space<vmem>>, vector<980x64xf32>,
    } else {
    }
    %gt3A = arith.constant 0 : i32
    %gt3A_511 = arith.cmpi sgt, %arg0, %gt3A : i32
    %convert_element_type3A_512 = arith.extui %gt3A_511 : i1 to i32
    %cond3A_513 = arith.constant 0 : i32
    %cond3A_514 = arith.cmpi ne, %convert_element_type3A_512, %cond3A_513 : i32
    scf.if %cond3A_514 {
      %get3A_515 = arith.constant 0 : index
      %get3A_516 = arith.constant 0 : index
      %get3A_517 = vector.load %arg5[%get3A_515, %get3A_516] : memref<980x64xf32, #tpu.memory_space<vmem>>, vector<980x64xf32>
      %add3A_518 = arith.addf %get3A_517, %dot_general3A_506 : vector<980x64xf32>
      %swap3A = arith.constant 0 : index
      %swap3A_519 = arith.constant 0 : index
      %swap3A_520 = vector.load %arg5[%swap3A, %swap3A_519] : memref<980x64xf32, #tpu.memory_space<vmem>>, vector<980x64xf32>
      tpu.vector_store %arg5[%swap3A, %swap3A_519], %add3A_518 {strides = array<i32>} : memref<980x64xf32, #tpu.memory_space<vmem>>, vector<980x64xf32>,
    } else {
    }
    return
  }
  func.func @transform_0(%arg0: i32) -> (i32, i32, i32) {
    %c0_i32 = arith.constant 0 : i32
    %c0_i32_0 = arith.constant 0 : i32
    %c0_i32_1 = arith.constant 0 : i32
    return %arg0, %c0_i32, %c0_i32_0 : i32, i32, i32
  }
  func.func @transform_1(%arg0: i32) -> (i32, i32, i32) {
    %c0_i32 = arith.constant 0 : i32
    %c0_i32_0 = arith.constant 0 : i32
    %c0_i32_1 = arith.constant 0 : i32
    return %arg0, %c0_i32, %c0_i32_0 : i32, i32, i32
  }
  func.func @transform_2(%arg0: i32) -> (i32, i32) {
    %c0_i32 = arith.constant 0 : i32
    %c0_i32_0 = arith.constant 0 : i32
    %c0_i32_1 = arith.constant 0 : i32
    return %c0_i32, %c0_i32_0 : i32, i32
  }
  func.func @transform_3(%arg0: i32) -> (i32, i32) {
    %c0_i32 = arith.constant 0 : i32
    %c0_i32_0 = arith.constant 0 : i32
    %c0_i32_1 = arith.constant 0 : i32
    return %c0_i32, %c0_i32_0 : i32, i32
  }
  func.func @transform_4(%arg0: i32) -> (i32, i32) {
    %c0_i32 = arith.constant 0 : i32
    %c0_i32_0 = arith.constant 0 : i32
    %c0_i32_1 = arith.constant 0 : i32
    return %c0_i32, %c0_i32_0 : i32, i32
  }
}

</mosaic_0001>

<sc_bundles>
// kernel: gather_offload_async_start
scs
__scs_entry_jumppad:
0x0: {  	(pc) =	sbr.rel $0x88, $3  }
0x1: {  	(tag) =	ssettag $0x0;
	lr =	simm.s32 $0x1  }
0x2: {  	[smem:$0x3F9E] =	sst lr;
	_ =	strace $0xD0000000  }
0x3: {  	_ = 	snop  }
0x4: {  	_ = 	snop  }
0x5: {  	_ = 	snop  }
0x6: {  	_ = 	snop  }
0x7: {  	_ = 	snop  }
__scs_overlays_trampoline_lowered:
0x8: {  	[smem:$0x3FAD] =	sst s0  }
0x9: {  	[smem:$0x3FAE] =	sst s1  }
0xa: {  	[smem:$0x3FAF] =	sst s2  }
0xb: {  	[smem:$0x3FB0] =	sst s3  }
0xc: {  	[smem:$0x3FB1] =	sst s4  }
0xd: {  	[smem:$0x3FB2] =	sst s5  }
0xe: {  	[smem:$0x3FB3] =	sst s6  }
0xf: {  	[smem:$0x3FB4] =	sst s7  }
0x10: {  	[smem:$0x3FB5] =	sst s8  }
0x11: {  	[smem:$0x3FB6] =	sst s9;
	s0 =	simm.s32 @!p0 $0x0  }
0x12: {  	s1 =	sld [smem:$0x3F9C];
	s0 =	simm.s32 @p0 $0x1  }
0x13: {  	[smem:$0x3FB7] =	sst s0;
	s0 =	simm.s32 @!p1 $0x0  }
0x14: {  	s2 =	sld [smem:$0x3F9B];
	s0 =	simm.s32 @p1 $0x1  }
0x15: {  	[smem:$0x3FB8] =	sst s0;
	s0 =	simm.s32 @!p2 $0x0  }
0x16: {  	s3 =	sld [smem:$0x3FDB];
	s0 =	simm.s32 @p2 $0x1  }
0x17: {  	s4 =	simm.s32 $0x1BF5;
	[smem:$0x3FBA] =	sst s0  }
0x18: {  	s0 =	sld [smem:$0x3F9D];
	_ =	swait.ge [sflag:s4], $0x0  }
0x19: {  	s7 =	sld [smem:$0x3F9E]  }
0x1a: {  	s8 =	sadd.s32 $0xFFFFE003, lr  }
0x1b: {  	s9 =	sadd.s32 $0xFFFFFEF7, lr;
	s5 =	simm.s32 $0xFFFFFFFF;
	p2 =	slt.u32 s8, $0xFFFFF086  }
0x1c: {  	p1 =	slt.u32 s9, $0xF7A;
	s5 =	simm.s32 @!p2 $0x0  }
0x1d: {  	s5 =	simm.s32 @p1 $0x1;
	p0 =	seq.s32 s7, s2  }
0x1e: {  	s7 =	smul.u32 @!p0 $0xF7A, s2;
	p2 =	seq.s32 @!p0 s5, $0x0  }
0x1f: {  	s9 =	smul.u32 $0xF7A, s1;
	s8 =	simm.s32 @!p0 $0x1BF5;
	p2 =	por !p2, p0  }
0x20: {  	[sflag:s8] =	ssyncset.s32 @!p0 $0xFFFFF086;
	s6 =	sadd.s32 @!p0 s3, s7;
	s7 =	simm.s32 @!p0 $0x108  }
0x21: {  	s3 =	sadd.s32 s3, s9;
	s6 =	sadd.s32 @!p0 $0x88, s6;
	s7 =	simm.s32 @p2 $0x1082  }
0x22: {  	[simem:s7], [sflag:s8] =	dma.local @!p0 [hbm:s6], $0xF7A  }
0x23: {  	s9 =	sor.u32 $0xD0000000, s2;
	s6 =	simm.s32 $0x108;
	_ =	swait.ge @!p0 [sflag:s8], $0x0  }
0x24: {  	s3 =	sadd.s32 $0x88, s3;
	s6 =	simm.s32 @!p1 $0x1082;
	[sflag:s4] =	ssyncset.s32 $0xFFFFF086  }
0x25: {  	[simem:s6], [sflag:s4] =	dma.local [hbm:s3], $0xF7A  }
0x26: {  	[smem:$0x3F9E] =	sst s1;
	(tag) =	ssettag s2;
	_ =	strace s9  }
0x27: {  	s1 =	sld [smem:$0x3FAE]  }
0x28: {  	s2 =	sld [smem:$0x3FAF]  }
0x29: {  	s4 =	sld [smem:$0x3FB1]  }
0x2a: {  	p0 =	seq.s32 s5, $0x0;
	s5 =	sld [smem:$0x3FB2]  }
0x2b: {  	s6 =	sld [smem:$0x3FB3]  }
0x2c: {  	s7 =	sld [smem:$0x3FB4]  }
0x2d: {  	s3 =	simm.s32 $0x108;
	s8 =	sld [smem:$0x3FB5]  }
0x2e: {  	s3 =	simm.s32 @!p0 $0x1082;
	s9 =	sld [smem:$0x3FB6]  }
0x2f: {  	lr =	sadd.s32 s0, s3;
	s0 =	sld [smem:$0x3FAD]  }
0x30: {  	s3 =	sld [smem:$0x3FB0]  }
0x31: {  	[smem:$0x3FB9] =	sst s10  }
0x32: {  	s10 =	sld [smem:$0x3FB7];
	_ =	sdelay $0x3  }
0x33: {  	p0 =	seq.s32 s10, $0x1;
	s10 =	sld [smem:$0x3FB9];
	_ =	sdelay $0x3  }
0x34: {  	[smem:$0x3FB9] =	sst s10  }
0x35: {  	s10 =	sld [smem:$0x3FB8];
	_ =	sdelay $0x3  }
0x36: {  	p1 =	seq.s32 s10, $0x1;
	s10 =	sld [smem:$0x3FB9];
	_ =	sdelay $0x3  }
0x37: {  	[smem:$0x3FB9] =	sst s10  }
0x38: {  	s10 =	sld [smem:$0x3FBA]  }
0x39: {  	_ = 	snop;
	(pc) =	sbr.ind lr, $3  }
0x3a: {  	_ = 	snop  }
0x3b: {  	_ = 	snop  }
0x3c: {  	p2 =	seq.s32 s10, $0x1;
	s10 =	sld [smem:$0x3FB9]  }
0x3d: {  	_ =	shalt  }
0x3e: {  	_ =	shalt  }
0x3f: {  	_ =	shalt  }
0x40: {  	_ =	shalt  }
0x41: {  	_ =	shalt  }
0x42: {  	_ =	shalt  }
0x43: {  	_ =	shalt  }
0x44: {  	_ =	shalt  }
0x45: {  	_ =	shalt  }
0x46: {  	_ =	shalt  }
0x47: {  	_ =	shalt  }
0x48: {  	_ =	shalt  }
0x49: {  	_ =	shalt  }
0x4a: {  	_ =	shalt  }
0x4b: {  	_ =	shalt  }
0x4c: {  	_ =	shalt  }
0x4d: {  	_ =	shalt  }
0x4e: {  	_ =	shalt  }
0x4f: {  	_ =	shalt  }
0x50: {  	_ =	shalt  }
0x51: {  	_ =	shalt  }
0x52: {  	_ =	shalt  }
0x53: {  	_ =	shalt  }
0x54: {  	_ =	shalt  }
0x55: {  	_ =	shalt  }
0x56: {  	_ =	shalt  }
0x57: {  	_ =	shalt  }
0x58: {  	_ =	shalt  }
0x59: {  	_ =	shalt  }
0x5a: {  	_ =	shalt  }
0x5b: {  	_ =	shalt  }
0x5c: {  	_ =	shalt  }
0x5d: {  	_ =	shalt  }
0x5e: {  	_ =	shalt  }
0x5f: {  	_ =	shalt  }
0x60: {  	_ =	shalt  }
0x61: {  	_ =	shalt  }
0x62: {  	_ =	shalt  }
0x63: {  	_ =	shalt  }
0x64: {  	_ =	shalt  }
0x65: {  	_ =	shalt  }
0x66: {  	_ =	shalt  }
0x67: {  	_ =	shalt  }
0x68: {  	_ =	shalt  }
0x69: {  	_ =	shalt  }
0x6a: {  	_ =	shalt  }
0x6b: {  	_ =	shalt  }
0x6c: {  	_ =	shalt  }
0x6d: {  	_ =	shalt  }
0x6e: {  	_ =	shalt  }
0x6f: {  	_ =	shalt  }
0x70: {  	_ =	shalt  }
0x71: {  	_ =	shalt  }
0x72: {  	_ =	shalt  }
0x73: {  	_ =	shalt  }
0x74: {  	_ =	shalt  }
0x75: {  	_ =	shalt  }
0x76: {  	_ =	shalt  }
0x77: {  	_ =	shalt  }
0x78: {  	_ =	shalt  }
0x79: {  	_ =	shalt  }
0x7a: {  	_ =	shalt  }
0x7b: {  	_ =	shalt  }
0x7c: {  	_ =	shalt  }
0x7d: {  	_ =	shalt  }
0x7e: {  	_ =	shalt  }
0x7f: {  	_ =	shalt  }
0x80: {  	_ =	shalt  }
0x81: {  	_ =	shalt  }
0x82: {  	_ =	shalt  }
0x83: {  	_ =	shalt  }
0x84: {  	_ =	shalt  }
0x85: {  	_ =	shalt  }
0x86: {  	_ =	shalt  }
0x87: {  	_ =	shalt  }
.Lfunc_end0:
.L_simem_size_0:
called_computation_lowered:
.L_overlay_start_0:
0x88: {  	s0 =	sld [smem:$0x3FD9]  }
0x89: {  	s1 =	sld [smem:$0x3FFE];
	_ =	sdelay $0x3  }
0x8a: {  	s0 =	sadd.s32 s1, s0  }
0x8b: {  	[smem:$0x3FC5] =	sst s0  }
0x8c: {  	_ = 	snop  }
0x8d: {  	s0 =	sld [smem:$0x3FD0];
	(tm) =	ssettm $0x1  }
0x8e: {  	s16 =	sld [smem:$0x3FFB];
	_ =	sdelay $0x3  }
0x8f: {  	_ =	strace s16  }
0x90: {  	s1 =	sld [smem:$0x3FFC];
	_ =	sdelay $0x3  }
0x91: {  	_ =	strace s1  }
0x92: {  	s1 =	sld [smem:$0x3FFD];
	_ =	sdelay $0x3  }
0x93: {  	_ =	strace s1  }
0x94: {  	_ =	strace $0x8FFFFFFF  }
0x95: {  	s17 =	sld [smem:$0x3FDB];
	_ =	sdelay $0x1  }
0x96: {  	s2 =	simm.s32 $_scs_section_size  }
0x97: {  	s3 =	simm.s32 $_size__tile_overlayer_lowered;
	s4 =	simm.s32 $_tile_overlayer_lowered  }
0x98: {  	s20 =	simm.s32 $0x1BFF;
	s19 =	sshll.u32 s4, $0x1;
	s1 =	sadd.s32 s2, s17  }
0x99: {  	s5 =	simm.s32 $0x0;
	s18 =	sshll.u32 s3, $0x1;
	s3 =	sadd.s32 s19, s1  }
0x9a: {  	[timem:s5], [sflag:s20] =	dma.local [hbm:s3], s18  }
0x9b: {  	_ =	swait.ge [sflag:s20], s18  }
0x9c: {  	s2 =	ssub.s32 $0x0, s18;
	[sflag:s20] =	ssyncset.done $0x0  }
0x9d: {  	[sflag:s20] =	ssyncadd.s32 s2;
	_ =	sdelay $0x1  }
0x9e: {  	s21 =	simm.s32 $0x1B8B  }
0x9f: {  	_ =	swait.ge [sflag:s21], $0x1  }
0xa0: {  	[sflag:s21] =	ssyncset.done $0x0  }
0xa1: {  	s23 =	simm.s32 $0x1B8E;
	s22 =	sld [smem:$0x3FFE];
	[sflag:s21] =	ssyncadd.s32 $0xFFFFFFFF  }
0xa2: {  	s24 =	simm.s32 $execute0_lowered;
	[smem:$0x3FD2] =	sst s23  }
0xa3: {  	s3 =	sshll.u32 s24, $0x1;
	_ =	strace $0x80000046;
	[dreg:$0x1] =	wrdreg $0xFFFFFFFF  }
0xa4: {  	s25 =	simm.s32 $_size_execute0_lowered;
	s1 =	sadd.s32 s1, s3;
	[dreg:$0x0] =	wrdreg $0x0  }
0xa5: {  	s3 =	sshll.u32 s25, $0x1;
	[dreg:$0x2] =	wrdreg s1  }
0xa6: {  	[dreg:$0x3] =	wrdreg s3  }
0xa7: {  	[dreg:$0x4] =	wrdreg $0xC0  }
0xa8: {  	_ =	task [dreg:s5], $0x5FFFF  }
0xa9: {  	[dreg:$0x1] =	wrdreg $0xFFFFFFFF  }
0xaa: {  	[dreg:$0x0] =	wrdreg $0x60  }
0xab: {  	[dreg:$0x2] =	wrdreg s22  }
0xac: {  	[dreg:$0x3] =	wrdreg s0  }
0xad: {  	[dreg:$0x4] =	wrdreg $0x9  }
0xae: {  	_ =	task.clear_ibuf [dreg:s5], $0x5FFFF;
	_ =	strace $0x90000046  }
0xaf: {  	s26 =	simm.s32 $0x9;
	_ =	strace $0x80000048  }
0xb0: {  	_ =	swait.ge [sflag:s26], $0x1  }
0xb1: {  	[sflag:s26] =	ssyncadd.s32 $0xFFFFFFFF  }
0xb2: {  	_ =	strace $0x90000048  }
0xb3: {  	_ =	sfence  }
0xb4: {  	s28 =	sld [smem:$0x0];
	_ =	sdelay $0x1  }
0xb5: {  	s29 =	srdreg.scid  }
0xb6: {  	s30 =	sshll.u32 s29, $0xD;
	s31 =	sshrl.u32 s29, $0x2  }
0xb7: {  	s2 =	sand.u32 $0x4000, s30;
	s1 =	sand.u32 $0x1, s29;
	s0 =	sadd.s32 s31, s28  }
0xb8: {  	s1 =	sor.u32 s2, s1;
	s0 =	sshll.u32 s0, $0x11  }
0xb9: {  	s0 =	sor.u32 s0, s1  }
0xba: {  	s0 =	sadd.s32 $0x8F2B, s0  }
0xbb: {  	[sflag:s0] =	ssyncadd.remote.s32 $0x1  }
0xbc: {  	_ =	sfence.sel $0xFFFF  }
0xbd: {  	[dreg:$0x0] =	wrdreg $0xFFFFFFFF;
	(pc) =	sbr.abs _section_cstart, $3  }
0xbe: {  	[dreg:$0x1] =	wrdreg $0xFFFFFFFF  }
0xbf: {  	_ =	task.clear_ibuf [dreg:s5], $0x2FFFF;
	_ =	strace $0x9FFFFFFF  }
0xc0: {  	(tm) =	ssettm $0x7FFFFFFF  }
0xc1: {  	_ =	shalt  }
tec
execute0_lowered:
.L_overlay_start_1:
0x0: {  	(tag) =	ssettag $0x1  }
0x1: {  	s0 =	stileid.u32  }
0x2: {  	s1 =	smin.u32 s0, $0x3;
	s2 =	sshll.u32 s0, $0x1  }
0x3: {  	s1 =	sadd.s32 s1, s2  }
0x4: {  	p0 =	slt.u32 s0, $0x3;
	s2 =	simm.s32 $0x150;
	s1 =	smul.u32 $0x70, s1  }
0x5: {  	s2 =	simm.s32 @!p0 $0xE0  }
0x6: {  	s2 =	sadd.s32 s2, s1  }
0x7: {  	s3 =	smin.u32 s2, $0xF50  }
0x8: {  	s7 =	ssub.s32 s3, s1  }
0x9: {  	p0 =	sgt.s32 s7, $0x0  }
0xa: {  	s7 =	simm.s32 @!p0 $0x0  }
0xb: {  	s31 =	sand.u32 $0xFFF0, s7  }
0xc: {  	s2 =	sshrl.u32 s31, $0x4  }
0xd: {  	s9 =	rddreg [dreg:$0x0];
	s2 =	smul.u32 $0x2493, s2  }
0xe: {  	s4 =	rddreg [dreg:$0x1];
	s6 =	simm.s32 $0x1  }
0xf: {  	s11 =	simm.s32 $0x3;
	s13 =	simm.s32 $0x0;
	s8 =	sshrl.u32 s2, $0x10  }
0x10: {  	s12 =	simm.s32 $0x0;
	s5 =	sadd.s32 $0xC00, s9;
	s10 =	smul.u32 $0x70, s8  }
.Ltmp0:
0x11: {  	s9 =	sadd.s32 $0x10200, s9;
	s2 =	rddreg [dreg:$0x2];
	(pc) =	sbr.rel .LBB2_1-.Ltmp0, $4  }
0x12: {  	_ =	strace $0x80000047;
	p0 =	sne.s32 s7, s10;
	s10 =	simm.s32 $0x1  }
0x13: {  	[sflag:s6] =	ssyncpa.u1 $0x0;
	s7 =	simm.s32 $0x2;
	s10 =	simm.s32 @!p0 $0x0  }
0x14: {  	[sflag:s7] =	ssyncpa.u1 $0x0;
	p0 =	por $0x0, $0x0;
	s8 =	sadd.s32 s8, s10  }
0x15: {  	vm0 =	vmmov $0xff;
	vm1 =	vcmask $0x3F20;
	[sflag:s11] =	ssyncpa.u1 $0x0;
	s11 =	smov.u32 s1;
	s10 =	sadd.s32 $0x1, s8  }
.LBB2_6:
0x16: {  	[hbm:s17] =	stream.linear.scatter [tilespmem:s14], [sflag:$0x3], $0x400, $0x38;
	[tilespmem:$0x70E0] =	vst v63  }
.LBB2_7:
0x17: {  	s13 =	sadd.s32 $0x70, s11  }
0x18: {  	s15 =	smov.u32 s1;
	p2 =	slt.s32 s13, s3  }
0x19: {  	s15 =	smov.u32 @p2 s13;
	p2 =	sne.s32 s12, s10  }
.Ltmp1:
0x1a: {  	p1 =	slt.u32 s12, $0x2;
	(pc) =	sbr.rel @!p2 .LBB2_8-.Ltmp1, $4  }
0x1b: {  	s14 =	simm.s32 @!p1 $0x3  }
0x1c: {  	s16 =	sadd.s32 $0x1, s12;
	_ =	swait.ge @!p1 [sflag:s14], $0x3800  }
0x1d: {  	p0 =	por !p0, !p0;
	s13 =	smov.u32 s11;
	[sflag:s14] =	ssyncset.done @!p1 $0x0  }
0x1e: {  	s12 =	smov.u32 s16;
	s11 =	smov.u32 s15;
	[sflag:s14] =	ssyncadd.s32 @!p1 $0xFFFFC800  }
.LBB2_1:
0x1f: {  	p1 =	sge.u32 s12, s8  }
0x20: {  	s14 =	sxor.u32 @!p1 $0xFFFFFFFF, s12  }
0x21: {  	s14 =	sand.u32 @!p1 $0x1, s14  }
0x22: {  	s14 =	smul.u32 @!p1 $0x1C0, s14  }
0x23: {  	s31 =	sadd.s32 $0xFFFFFFFF, s12;
	s15 =	sshrl.u32 @!p1 s11, $0x3  }
0x24: {  	s16 =	sand.u32 @!p1 $0x7, s11;
	s15 =	sadd.s32 @!p1 s4, s15;
	s14 =	sshrl.u32 @!p1 s14, $0x2  }
0x25: {  	[tilespmem:s14], [sflag:$0x2] =	stream.linear.gather @!p1 [hbm4b:s15+s16], $0x70, $0x38;
	[tilespmem:$0x70E0] =	vst v63  }
0x26: {  	p1 =	sge.u32 s31, s8  }
.Ltmp2:
0x27: {  	_ = 	snop;
	(pc) =	sbr.rel @p1 .LBB2_7-.Ltmp2, $1  }
0x28: {  	_ =	sdelay $0x3  }
0x29: {  	s14 =	simm.s32 $0x1  }
0x2a: {  	s14 =	simm.s32 @!p0 $0x0  }
0x2b: {  	s15 =	smul.u32 $0x1C0, s14  }
0x2c: {  	_ =	swait.ge [sflag:s7], $0x70  }
0x2d: {  	[sflag:s7] =	ssyncset.done $0x0;
	s16 =	sshrl.u32 s15, $0x2  }
0x2e: {  	[sflag:s7] =	ssyncadd.s32 $0xFFFFFF90;
	s15 =	sadd.s32 $0x0, s16  }
0x2f: {  	v0 =	vld.msk [tilespmem:s15+$0x0 ss:$0x1], $0xffff;
	_ =	sdelay $0x4  }
0x30: {  	vm2 =	vgt.s32 v0, $0x0  }
0x31: {  	v0 =	vnsel vm2, $0x0, v0  }
0x32: {  	v0 =	vmin.u32 v0, $0xF4F  }
0x33: {  	v0 =	vshll.u32 v0, $0x4  }
0x34: {  	s14 =	smul.u32 $0xE000, s14;
	_ =	sdelay $0x1  }
0x35: {  	s14 =	sshrl.u32 s14, $0x2  }
0x36: {  	s14 =	sor.u32 $0xE0, s14  }
0x37: {  	[tilespmem:s14], [sflag:$0x1] =	stream.indirect_vreg.gather [hbm:s5], $0x80, v0, vm0, $0x38;
	[tilespmem:$0x70E0] =	vst v63  }
0x38: {  	s17 =	sadd.s32 $0x10, s16;
	s15 =	sadd.s32 $0x400, s14  }
0x39: {  	[tilespmem:s15], [sflag:$0x1] =	stream.indirect_vreg.gather [hbm:s5], $0x80, v0, vm1, $0x38;
	[tilespmem:$0x70E0] =	vst v63  }
0x3a: {  	s18 =	simm.s32 $0x80;
	v0 =	vld.msk [tilespmem:s17+$0x0 ss:$0x1], $0xffff;
	s17 =	smov.u32 s14  }
.LBB2_3:
0x3b: {  	p1 =	sne.s32 s18, $0x180;
	_ =	sdelay $0x4  }
0x3c: {  	vm2 =	vgt.s32 v0, $0x0  }
0x3d: {  	v0 =	vnsel vm2, $0x0, v0  }
0x3e: {  	v0 =	vmin.u32 v0, $0xF4F  }
0x3f: {  	v0 =	vshll.u32 v0, $0x4;
	_ =	sdelay $0x3  }
.Ltmp3:
0x40: {  	s19 =	sshra.s32 s18, $0x2;
	s17 =	sadd.s32 $0x800, s17;
	(pc) =	sbr.rel @p1 .LBB2_3-.Ltmp3, $4  }
0x41: {  	[tilespmem:s17], [sflag:$0x1] =	stream.indirect_vreg.gather [hbm:s5], $0x80, v0, vm0, $0x38;
	[tilespmem:$0x70E0] =	vst v63  }
0x42: {  	s19 =	sadd.s32 s19, s16;
	s20 =	sadd.s32 $0x400, s17  }
0x43: {  	[tilespmem:s20], [sflag:$0x1] =	stream.indirect_vreg.gather [hbm:s5], $0x80, v0, vm1, $0x38;
	[tilespmem:$0x70E0] =	vst v63  }
0x44: {  	s18 =	sadd.s32 $0x40, s18;
	v0 =	vld.msk [tilespmem:s19+$0x0 ss:$0x1], $0xffff  }
0x45: {  	_ =	sdelay $0x3  }
0x46: {  	vm2 =	vgt.s32 v0, $0x0  }
0x47: {  	v0 =	vnsel vm2, $0x0, v0  }
0x48: {  	v0 =	vmin.u32 v0, $0xF4F  }
0x49: {  	v0 =	vshll.u32 v0, $0x4;
	_ =	sdelay $0x3  }
0x4a: {  	s16 =	sadd.s32 $0x800, s17  }
0x4b: {  	[tilespmem:s16], [sflag:$0x1] =	stream.indirect_vreg.gather [hbm:s5], $0x80, v0, vm0, $0x38;
	[tilespmem:$0x70E0] =	vst v63  }
0x4c: {  	s16 =	sadd.s32 $0x400, s16  }
0x4d: {  	[tilespmem:s16], [sflag:$0x1] =	stream.indirect_vreg.gather [hbm:s5], $0x80, v0, vm1, $0x38;
	[tilespmem:$0x70E0] =	vst v63  }
0x4e: {  	s13 =	sshll.u32 s13, $0x4;
	_ =	swait.ge [sflag:s6], $0x3800  }
0x4f: {  	s13 =	sadd.s32 s13, s9;
	[sflag:s6] =	ssyncset.done $0x0  }
0x50: {  	s17 =	sadd.s32 $0x0, s13;
	s16 =	simm.s32 $0x80;
	[sflag:s6] =	ssyncadd.s32 $0xFFFFC800  }
.LBB2_5:
0x51: {  	[hbm:s17] =	stream.linear.scatter [tilespmem:s14], [sflag:$0x3], $0x400, $0x38;
	[tilespmem:$0x70E0] =	vst v63  }
0x52: {  	s17 =	smov.u32 s16;
	s14 =	smov.u32 s15;
	p1 =	sne.s32 s16, $0x680  }
.Ltmp4:
0x53: {  	s16 =	sadd.s32 $0x80, s16;
	(pc) =	sbr.rel @p1 .LBB2_5-.Ltmp4, $2  }
0x54: {  	_ =	sdelay $0x2  }
0x55: {  	s15 =	sadd.s32 $0x400, s15;
	s17 =	sadd.s32 s17, s13  }
.Ltmp5:
0x56: {  	_ = 	snop;
	(pc) =	sbr.rel .LBB2_6-.Ltmp5, $1  }
0x57: {  	_ =	sdelay $0x3  }
.LBB2_8:
0x58: {  	_ =	sfence.sel $0x180000  }
0x59: {  	s1 =	simm.s32 $0x2;
	[bflag:$0x0] =	sbarrier.arrive $0xFFFF  }
0x5a: {  	s30 =	simm.s32 $0x3;
	[sflag:s1] =	ssyncpa.u1 $0x1  }
0x5b: {  	s31 =	simm.s32 $0x1;
	[sflag:s30] =	ssyncpa.u1 $0x1  }
0x5c: {  	[sflag:s31] =	ssyncpa.u1 $0x1  }
0x5d: {  	p0 =	sne.s32 s0, $0x0;
	_ =	strace $0x90000047  }
0x5e: {  	s0 =	sadd.s32 @!p0 $0x100000, s2;
	[bflag:$0x2] =	sbarrier.arrive $0xFFFF  }
0x5f: {  	[sflag:s0] =	ssyncadd.tile.s32 @!p0 $0x1;
	_ =	shalt  }
.Lfunc_end2:
_tile_overlayer_lowered:
.L_overlay_start_2:
0x60: {  	(tag) =	ssettag $0x2  }
0x61: {  	s0 =	rddreg [dreg:$0x0];
	s2 =	stileid.u32  }
0x62: {  	s1 =	rddreg [dreg:$0x1];
	p0 =	sne.s32 s2, $0x0  }
0x63: {  	s3 =	rddreg [dreg:$0x2];
	[bflag:$0x3] =	sbarrier.arrive $0xFFFF;
	s2 =	simm.s32 @!p0 $0x1C01  }
0x64: {  	[timem:s3], [sflag:s2] =	dma.local @!p0 [hbm:s0], s1  }
0x65: {  	s0 =	simm.s32 @!p0 $0x1  }
0x66: {  	_ =	swait.ge @!p0 [sflag:s0], s1  }
0x67: {  	s1 =	ssub.s32 @!p0 $0x0, s1;
	[sflag:s0] =	ssyncset.done @!p0 $0x0  }
0x68: {  	[sflag:s0] =	ssyncadd.s32 @!p0 s1  }
0x69: {  	[bflag:$0x3] =	sbarrier.arrive $0xFFFF  }
0x6a: {  	_ =	shalt  }

</sc_bundles>
